<compile_context>
chip_gen: v7x
topology: tpu7x:2x2x1
jax: 0.10.2.dev20260603
libtpu: 0.0.44.dev20260713+nightly
codegen_flags: <defaults>
</compile_context>

<pallas_src>
import functools

import jax
import jax.numpy as jnp
from jax import lax
from jax.experimental import pallas as pl
from jax.experimental.pallas import tpu as pltpu
from jax.experimental.pallas import tpu_sc as plsc

B = 4096
F = 26
V = 100000
D = 16
C = 13

_NW = 32
_R = F * D
_RPW = _R // _NW


def _sc_gather_t(tbl_lin, idx_t):
    mesh = plsc.VectorSubcoreMesh(core_axis_name="c", subcore_axis_name="s")

    @functools.partial(
        pl.kernel,
        mesh=mesh,
        out_type=jax.ShapeDtypeStruct((_R, B), jnp.float32),
        scratch_types=[
            pltpu.VMEM((V,), jnp.float32),
            pltpu.VMEM((B,), jnp.int32),
            pltpu.VMEM((B,), jnp.float32),
        ],
        compiler_params=pltpu.CompilerParams(
            use_tc_tiling_on_sc=False, needs_layout_passes=False),
    )
    def k(tbl_hbm, idx_hbm, out_hbm, row_v, idx_v, out_v):
        wid = lax.axis_index("s") * 2 + lax.axis_index("c")

        def do_row(i, carry):
            r = wid * _RPW + i
            f = r // D
            pltpu.sync_copy(tbl_hbm.at[r], row_v)
            pltpu.sync_copy(idx_hbm.at[f], idx_v)

            def extract(j, c2):
                vi = idx_v[pl.ds(j * 16, 16)]
                out_v[pl.ds(j * 16, 16)] = plsc.load_gather(row_v, [vi])
                return c2

            lax.fori_loop(0, B // 16, extract, 0)
            pltpu.sync_copy(out_v, out_hbm.at[r])
            return carry

        lax.fori_loop(0, _RPW, do_row, 0)

    return k(tbl_lin, idx_t)


def _mlp(embt, xc, w1e, w1c, b1, g1, be1, w2, b2, g2, be2, w3, b3, gc, bc):
    def body(embt_ref, xc_ref, w1e_ref, w1c_ref, b1_ref, g1_ref, be1_ref,
             w2_ref, b2_ref, g2_ref, be2_ref, w3_ref, b3_ref, gc_ref,
             bc_ref, out_ref):
        hp = jax.lax.Precision.HIGHEST
        x = xc_ref[...]
        m = jnp.mean(x, axis=0, keepdims=True)
        v = jnp.mean((x - m) * (x - m), axis=0, keepdims=True)
        xn = (x - m) * lax.rsqrt(v + 1e-5) * gc_ref[...] + bc_ref[...]

        h = jax.lax.dot_general(
            embt_ref[...], w1e_ref[...],
            dimension_numbers=(((0,), (0,)), ((), ())),
            preferred_element_type=jnp.float32, precision=hp)
        h = h + jnp.dot(xn, w1c_ref[...],
                        preferred_element_type=jnp.float32, precision=hp)
        h = jnp.maximum(h + b1_ref[...], 0.0)
        m = jnp.mean(h, axis=0, keepdims=True)
        v = jnp.mean((h - m) * (h - m), axis=0, keepdims=True)
        h = (h - m) * lax.rsqrt(v + 1e-5) * g1_ref[...] + be1_ref[...]

        h = jnp.maximum(
            jnp.dot(h, w2_ref[...], preferred_element_type=jnp.float32,
                    precision=hp) + b2_ref[...], 0.0)
        m = jnp.mean(h, axis=0, keepdims=True)
        v = jnp.mean((h - m) * (h - m), axis=0, keepdims=True)
        h = (h - m) * lax.rsqrt(v + 1e-5) * g2_ref[...] + be2_ref[...]

        out_ref[...] = jnp.dot(
            h, w3_ref[...], preferred_element_type=jnp.float32,
            precision=hp) + b3_ref[...]

    return pl.pallas_call(
        body,
        out_shape=jax.ShapeDtypeStruct((B, 1), jnp.float32),
    )(embt, xc, w1e, w1c, b1, g1, be1, w2, b2, g2, be2, w3, b3, gc, bc)


def kernel(x_cont, x_emb, tables, W1, b1, g1, be1, W2, b2, g2, be2, W3, b3,
           gc, bc):
    tbl_lin = tables.transpose(0, 2, 1).reshape(_R, V)
    embt = _sc_gather_t(tbl_lin, x_emb.T)
    out = _mlp(
        embt, x_cont,
        W1[:_R], W1[_R:],
        b1.reshape(1, -1), g1.reshape(1, -1), be1.reshape(1, -1),
        W2, b2.reshape(1, -1), g2.reshape(1, -1), be2.reshape(1, -1),
        W3, b3.reshape(1, -1), gc.reshape(1, -1), bc.reshape(1, -1),
    )
    return out

# --- scband reference (transcript-rebuilt; emitter-appended) ---
"""Pipeline reference for scband-categorical-embedding-model-18227841204887 (READ-ONLY COPY).

The authoritative reference and input builder live on the scoring server;
editing this copy changes nothing except your own understanding.
"""

import jax, jax.numpy as jnp
import numpy as np

B = 4096
F = 26
V = 100000
D = 16
C = 13
N_IN = F * D + C  # 429


def _bn(x, g, b):
    m = jnp.mean(x, axis=0)
    v = jnp.var(x, axis=0)
    return (x - m) / jnp.sqrt(v + 1e-5) * g + b


def setup_inputs(seed: int = 0):
    key = jax.random.key(seed)
    ks = [jax.random.fold_in(key, i) for i in range(8)]
    x_cont = jax.random.normal(ks[0], (B, C), dtype=jnp.float32)
    x_emb = jax.random.randint(ks[1], (B, F), 0, V, dtype=jnp.int32)
    # kaiming_normal for embeddings: weight [V, D], fan_in = D
    tables = jax.random.normal(ks[2], (F, V, D), dtype=jnp.float32) * np.sqrt(2.0 / D)
    # Linear weights stored [in, out]; kaiming fan_in = in
    W1 = jax.random.normal(ks[3], (N_IN, 64), dtype=jnp.float32) * np.sqrt(2.0 / N_IN)
    b1 = jnp.zeros((64,), dtype=jnp.float32)
    W2 = jax.random.normal(ks[4], (64, 32), dtype=jnp.float32) * np.sqrt(2.0 / 64)
    b2 = jnp.zeros((32,), dtype=jnp.float32)
    W3 = jax.random.normal(ks[5], (32, 1), dtype=jnp.float32) * np.sqrt(2.0 / 32)
    b3 = jnp.zeros((1,), dtype=jnp.float32)
    g1 = jnp.ones((64,), dtype=jnp.float32)
    be1 = jnp.zeros((64,), dtype=jnp.float32)
    g2 = jnp.ones((32,), dtype=jnp.float32)
    be2 = jnp.zeros((32,), dtype=jnp.float32)
    gc = jnp.ones((C,), dtype=jnp.float32)
    bc = jnp.zeros((C,), dtype=jnp.float32)
    return {"x_cont": x_cont, "x_emb": x_emb, "tables": tables, "W1": W1, "b1": b1, "g1": g1, "be1": be1, "W2": W2, "b2": b2, "g2": g2, "be2": be2, "W3": W3, "b3": b3, "gc": gc, "bc": bc}


def reference(x_cont, x_emb, tables, W1, b1, g1, be1, W2, b2, g2, be2, W3, b3, gc, bc):
    # per-field embedding gather: tables[f, x_emb[:, f]] -> [B, F, D]
    emb = tables[jnp.arange(F)[None, :], x_emb]
    # dropout is identity in deterministic eval reference
    emb = emb.reshape(B, F * D)
    xc = _bn(x_cont, gc, bc)
    x = jnp.concatenate([emb, xc], axis=1)
    h = jnp.maximum(x @ W1 + b1, 0.0)
    h = _bn(h, g1, be1)
    h = jnp.maximum(h @ W2 + b2, 0.0)
    h = _bn(h, g2, be2)
    out = h @ W3 + b3
    return out

if __name__ == "__main__":
    import jax
    _d = setup_inputs()
    print(jax.jit(kernel)(*tuple(_d.values())))

</pallas_src>

<mosaic_0001>
#map = affine_map<(d0, d1) -> (0, 0)>
module attributes {stable_mosaic.version = 14 : i64} {
  func.func @k(%arg0: i32, %arg1: i32, %arg2: memref<416x100000xf32, #tpu.memory_space<hbm>>, %arg3: memref<26x4096xi32, #tpu.memory_space<hbm>>, %arg4: memref<416x4096xf32, #tpu.memory_space<hbm>>, %arg5: memref<100000xf32, #tpu.memory_space<vmem>>, %arg6: memref<4096xi32, #tpu.memory_space<vmem>>, %arg7: memref<4096xf32, #tpu.memory_space<vmem>>) attributes {dimension_semantics = [#tpu.dimension_semantics<core_parallel>, #tpu.dimension_semantics<subcore_parallel>], iteration_bounds = array<i64: 2, 16>, scalar_prefetch = 0 : i64, scratch_operands = 3 : i64, tpu.core_type = #tpu.core_type<sc_vector_subcore>, window_params = [{transform_indices = #map}, {transform_indices = #map}, {transform_indices = #map}]} {
    %mul3A = arith.constant 2 : i32
    %mul3A_0 = arith.muli %arg1, %mul3A : i32
    %add3A = arith.addi %mul3A_0, %arg0 : i32
    %scan3A = arith.constant 0 : i32
    %scan3A_1 = arith.constant 0 : i32
    %scan3A_2 = arith.constant 13 : i32
    %scan3A_3 = arith.addi %scan3A_1, %scan3A_2 : i32
    %scan3A_4 = arith.constant 1 : i32
    scf.for %scan3A_6 = %scan3A_1 to %scan3A_3 step %scan3A_4  : i32 {
      %mul3A_7 = arith.constant 13 : i32
      %mul3A_8 = arith.muli %add3A, %mul3A_7 : i32
      %add3A_9 = arith.addi %mul3A_8, %scan3A_6 : i32
      %jit3A = arith.constant 16 : i32
      %div3A = arith.divsi %add3A_9, %jit3A : i32
      %sign3A = arith.constant 0 : i32
      %sign3A_10 = arith.cmpi sgt, %add3A_9, %sign3A : i32
      %sign3A_11 = arith.extui %sign3A_10 : i1 to i32
      %sign3A_12 = arith.constant 0 : i32
      %sign3A_13 = arith.cmpi slt, %add3A_9, %sign3A_12 : i32
      %sign3A_14 = arith.extui %sign3A_13 : i1 to i32
      %sign3A_15 = arith.subi %sign3A_11, %sign3A_14 : i32
      %sign3A_16 = arith.constant 0 : i32
      %sign3A_17 = arith.cmpi sgt, %jit3A, %sign3A_16 : i32
      %sign3A_18 = arith.extui %sign3A_17 : i1 to i32
      %sign3A_19 = arith.constant 0 : i32
      %sign3A_20 = arith.cmpi slt, %jit3A, %sign3A_19 : i32
      %sign3A_21 = arith.extui %sign3A_20 : i1 to i32
      %sign3A_22 = arith.subi %sign3A_18, %sign3A_21 : i32
      %ne3A = arith.cmpi ne, %sign3A_15, %sign3A_22 : i32
      %rem3A = arith.remsi %add3A_9, %jit3A : i32
      %ne3A_23 = arith.constant 0 : i32
      %ne3A_24 = arith.cmpi ne, %rem3A, %ne3A_23 : i32
      %and3A = arith.andi %ne3A, %ne3A_24 : i1
      %sub3A = arith.constant 1 : i32
      %sub3A_25 = arith.subi %div3A, %sub3A : i32
      %select_n3A = arith.select %and3A, %sub3A_25, %div3A : i32
      "tpu.region"() ({
        %run_scoped3A = tpu.sem_alloc : memref<!tpu.dma_semaphore, #tpu.memory_space<semaphore_mem>>
        %dma_start3A = arith.constant 0 : i32
        %dma_start3A_32 = tpu.memref_slice %arg2[%add3A_9, %dma_start3A] : memref<416x100000xf32, #tpu.memory_space<hbm>> -> memref<1x100000xf32, #tpu.memory_space<hbm>>
        %dma_start3A_33 = tpu.memref_squeeze %dma_start3A_32 : memref<1x100000xf32, #tpu.memory_space<hbm>> -> memref<100000xf32, #tpu.memory_space<hbm>>
        %dma_start3A_34 = arith.constant 0 : i32
        %dma_start3A_35 = tpu.memref_slice %arg2[%add3A_9, %dma_start3A_34] : memref<416x100000xf32, #tpu.memory_space<hbm>> -> memref<1x100000xf32, #tpu.memory_space<hbm>>
        %dma_start3A_36 = tpu.memref_squeeze %dma_start3A_35 : memref<1x100000xf32, #tpu.memory_space<hbm>> -> memref<100000xf32, #tpu.memory_space<hbm>>
        tpu.enqueue_dma source(%dma_start3A_36 : memref<100000xf32, #tpu.memory_space<hbm>>) target(%arg5 : memref<100000xf32, #tpu.memory_space<vmem>>) target_semaphore(%run_scoped3A : memref<!tpu.dma_semaphore, #tpu.memory_space<semaphore_mem>>)
        %dma_wait3A = arith.constant 0 : i32
        %dma_wait3A_37 = tpu.memref_slice %arg2[%add3A_9, %dma_wait3A] : memref<416x100000xf32, #tpu.memory_space<hbm>> -> memref<1x100000xf32, #tpu.memory_space<hbm>>
        %dma_wait3A_38 = tpu.memref_squeeze %dma_wait3A_37 : memref<1x100000xf32, #tpu.memory_space<hbm>> -> memref<100000xf32, #tpu.memory_space<hbm>>
        %dma_wait3A_39 = arith.constant 0 : i32
        %dma_wait3A_40 = tpu.memref_slice %arg2[%add3A_9, %dma_wait3A_39] : memref<416x100000xf32, #tpu.memory_space<hbm>> -> memref<1x100000xf32, #tpu.memory_space<hbm>>
        %dma_wait3A_41 = tpu.memref_squeeze %dma_wait3A_40 : memref<1x100000xf32, #tpu.memory_space<hbm>> -> memref<100000xf32, #tpu.memory_space<hbm>>
        tpu.wait_dma2 semaphore(%run_scoped3A : memref<!tpu.dma_semaphore, #tpu.memory_space<semaphore_mem>>) src(%dma_wait3A_41 : memref<100000xf32, #tpu.memory_space<hbm>>) dst(%arg5 : memref<100000xf32, #tpu.memory_space<vmem>>)
        tpu.yield
      }) : () -> ()
      "tpu.region"() ({
        %run_scoped3A = tpu.sem_alloc : memref<!tpu.dma_semaphore, #tpu.memory_space<semaphore_mem>>
        %dma_start3A = arith.constant 0 : i32
        %dma_start3A_32 = tpu.memref_slice %arg3[%select_n3A, %dma_start3A] : memref<26x4096xi32, #tpu.memory_space<hbm>> -> memref<1x4096xi32, #tpu.memory_space<hbm>>
        %dma_start3A_33 = tpu.memref_squeeze %dma_start3A_32 : memref<1x4096xi32, #tpu.memory_space<hbm>> -> memref<4096xi32, #tpu.memory_space<hbm>>
        %dma_start3A_34 = arith.constant 0 : i32
        %dma_start3A_35 = tpu.memref_slice %arg3[%select_n3A, %dma_start3A_34] : memref<26x4096xi32, #tpu.memory_space<hbm>> -> memref<1x4096xi32, #tpu.memory_space<hbm>>
        %dma_start3A_36 = tpu.memref_squeeze %dma_start3A_35 : memref<1x4096xi32, #tpu.memory_space<hbm>> -> memref<4096xi32, #tpu.memory_space<hbm>>
        tpu.enqueue_dma source(%dma_start3A_36 : memref<4096xi32, #tpu.memory_space<hbm>>) target(%arg6 : memref<4096xi32, #tpu.memory_space<vmem>>) target_semaphore(%run_scoped3A : memref<!tpu.dma_semaphore, #tpu.memory_space<semaphore_mem>>)
        %dma_wait3A = arith.constant 0 : i32
        %dma_wait3A_37 = tpu.memref_slice %arg3[%select_n3A, %dma_wait3A] : memref<26x4096xi32, #tpu.memory_space<hbm>> -> memref<1x4096xi32, #tpu.memory_space<hbm>>
        %dma_wait3A_38 = tpu.memref_squeeze %dma_wait3A_37 : memref<1x4096xi32, #tpu.memory_space<hbm>> -> memref<4096xi32, #tpu.memory_space<hbm>>
        %dma_wait3A_39 = arith.constant 0 : i32
        %dma_wait3A_40 = tpu.memref_slice %arg3[%select_n3A, %dma_wait3A_39] : memref<26x4096xi32, #tpu.memory_space<hbm>> -> memref<1x4096xi32, #tpu.memory_space<hbm>>
        %dma_wait3A_41 = tpu.memref_squeeze %dma_wait3A_40 : memref<1x4096xi32, #tpu.memory_space<hbm>> -> memref<4096xi32, #tpu.memory_space<hbm>>
        tpu.wait_dma2 semaphore(%run_scoped3A : memref<!tpu.dma_semaphore, #tpu.memory_space<semaphore_mem>>) src(%dma_wait3A_41 : memref<4096xi32, #tpu.memory_space<hbm>>) dst(%arg6 : memref<4096xi32, #tpu.memory_space<vmem>>)
        tpu.yield
      }) : () -> ()
      %scan3A_26 = arith.constant 0 : i32
      %scan3A_27 = arith.constant 0 : i32
      %scan3A_28 = arith.constant 256 : i32
      %scan3A_29 = arith.addi %scan3A_27, %scan3A_28 : i32
      %scan3A_30 = arith.constant 1 : i32
      scf.for %scan3A_32 = %scan3A_27 to %scan3A_29 step %scan3A_30  : i32 {
        %mul3A_33 = arith.constant 16 : i32
        %mul3A_34 = arith.muli %scan3A_32, %mul3A_33 : i32
        %get3A = arith.index_cast %mul3A_34 : i32 to index
        %get3A_35 = tpu.vector_load %arg6[%get3A] {strides = array<i32>} : memref<4096xi32, #tpu.memory_space<vmem>>, vector<16xi32>,
        %gather3A = tpu.vector_load_idx %arg5[%get3A_35] : memref<100000xf32, #tpu.memory_space<vmem>>[vector<16xi32>], vector<16xf32>,
        %mul3A_36 = arith.constant 16 : i32
        %mul3A_37 = arith.muli %scan3A_32, %mul3A_36 : i32
        %swap3A = arith.index_cast %mul3A_37 : i32 to index
        %swap3A_38 = tpu.vector_load %arg7[%swap3A] {strides = array<i32>} : memref<4096xf32, #tpu.memory_space<vmem>>, vector<16xf32>,
        tpu.vector_store %arg7[%swap3A], %gather3A {strides = array<i32>} : memref<4096xf32, #tpu.memory_space<vmem>>, vector<16xf32>,
      }
      %scan3A_31 = arith.constant 256 : i32
      "tpu.region"() ({
        %run_scoped3A = tpu.sem_alloc : memref<!tpu.dma_semaphore, #tpu.memory_space<semaphore_mem>>
        %dma_start3A = arith.constant 0 : i32
        %dma_start3A_32 = tpu.memref_slice %arg4[%add3A_9, %dma_start3A] : memref<416x4096xf32, #tpu.memory_space<hbm>> -> memref<1x4096xf32, #tpu.memory_space<hbm>>
        %dma_start3A_33 = tpu.memref_squeeze %dma_start3A_32 : memref<1x4096xf32, #tpu.memory_space<hbm>> -> memref<4096xf32, #tpu.memory_space<hbm>>
        %dma_start3A_34 = arith.constant 0 : i32
        %dma_start3A_35 = tpu.memref_slice %arg4[%add3A_9, %dma_start3A_34] : memref<416x4096xf32, #tpu.memory_space<hbm>> -> memref<1x4096xf32, #tpu.memory_space<hbm>>
        %dma_start3A_36 = tpu.memref_squeeze %dma_start3A_35 : memref<1x4096xf32, #tpu.memory_space<hbm>> -> memref<4096xf32, #tpu.memory_space<hbm>>
        tpu.enqueue_dma source(%arg7 : memref<4096xf32, #tpu.memory_space<vmem>>) target(%dma_start3A_36 : memref<4096xf32, #tpu.memory_space<hbm>>) target_semaphore(%run_scoped3A : memref<!tpu.dma_semaphore, #tpu.memory_space<semaphore_mem>>)
        %dma_wait3A = arith.constant 0 : i32
        %dma_wait3A_37 = tpu.memref_slice %arg4[%add3A_9, %dma_wait3A] : memref<416x4096xf32, #tpu.memory_space<hbm>> -> memref<1x4096xf32, #tpu.memory_space<hbm>>
        %dma_wait3A_38 = tpu.memref_squeeze %dma_wait3A_37 : memref<1x4096xf32, #tpu.memory_space<hbm>> -> memref<4096xf32, #tpu.memory_space<hbm>>
        %dma_wait3A_39 = arith.constant 0 : i32
        %dma_wait3A_40 = tpu.memref_slice %arg4[%add3A_9, %dma_wait3A_39] : memref<416x4096xf32, #tpu.memory_space<hbm>> -> memref<1x4096xf32, #tpu.memory_space<hbm>>
        %dma_wait3A_41 = tpu.memref_squeeze %dma_wait3A_40 : memref<1x4096xf32, #tpu.memory_space<hbm>> -> memref<4096xf32, #tpu.memory_space<hbm>>
        tpu.wait_dma2 semaphore(%run_scoped3A : memref<!tpu.dma_semaphore, #tpu.memory_space<semaphore_mem>>) src(%arg7 : memref<4096xf32, #tpu.memory_space<vmem>>) dst(%dma_wait3A_41 : memref<4096xf32, #tpu.memory_space<hbm>>)
        tpu.yield
      }) : () -> ()
    }
    %scan3A_5 = arith.constant 13 : i32
    return
  }
}

module attributes {stable_mosaic.version = 14 : i64} {
  func.func @body(%arg0: memref<416x4096xf32, #tpu.memory_space<vmem>>, %arg1: memref<4096x13xf32, #tpu.memory_space<vmem>>, %arg2: memref<416x64xf32, #tpu.memory_space<vmem>>, %arg3: memref<13x64xf32, #tpu.memory_space<vmem>>, %arg4: memref<1x64xf32, #tpu.memory_space<vmem>>, %arg5: memref<1x64xf32, #tpu.memory_space<vmem>>, %arg6: memref<1x64xf32, #tpu.memory_space<vmem>>, %arg7: memref<64x32xf32, #tpu.memory_space<vmem>>, %arg8: memref<1x32xf32, #tpu.memory_space<vmem>>, %arg9: memref<1x32xf32, #tpu.memory_space<vmem>>, %arg10: memref<1x32xf32, #tpu.memory_space<vmem>>, %arg11: memref<32x1xf32, #tpu.memory_space<vmem>>, %arg12: memref<1x1xf32, #tpu.memory_space<vmem>>, %arg13: memref<1x13xf32, #tpu.memory_space<vmem>>, %arg14: memref<1x13xf32, #tpu.memory_space<vmem>>, %arg15: memref<4096x1xf32, #tpu.memory_space<vmem>>) attributes {dimension_semantics = [], scalar_prefetch = 0 : i64, scratch_operands = 0 : i64, tpu.core_type = #tpu.core_type<tc>} {
    %get3A = arith.constant 0 : index
    %get3A_0 = arith.constant 0 : index
    %get3A_1 = vector.load %arg1[%get3A, %get3A_0] : memref<4096x13xf32, #tpu.memory_space<vmem>>, vector<4096x13xf32>
    %reduce_sum3A = arith.constant dense<0.000000e+00> : vector<13xf32>
    %reduce_sum3A_2 = vector.multi_reduction <add>, %get3A_1, %reduce_sum3A [0] : vector<4096x13xf32> to vector<13xf32>
    %broadcast_in_dim3A = vector.shape_cast %reduce_sum3A_2 : vector<13xf32> to vector<1x13xf32>
    %div3A = arith.constant 4.096000e+03 : f32
    %div3A_3 = vector.broadcast %div3A : f32 to vector<1x13xf32>
    %div3A_4 = arith.divf %broadcast_in_dim3A, %div3A_3 : vector<1x13xf32>
    %sub3A = vector.broadcast %div3A_4 : vector<1x13xf32> to vector<4096x13xf32>
    %sub3A_5 = arith.subf %get3A_1, %sub3A : vector<4096x13xf32>
    %sub3A_6 = vector.broadcast %div3A_4 : vector<1x13xf32> to vector<4096x13xf32>
    %sub3A_7 = arith.subf %get3A_1, %sub3A_6 : vector<4096x13xf32>
    %mul3A = arith.mulf %sub3A_5, %sub3A_7 : vector<4096x13xf32>
    %reduce_sum3A_8 = arith.constant dense<0.000000e+00> : vector<13xf32>
    %reduce_sum3A_9 = vector.multi_reduction <add>, %mul3A, %reduce_sum3A_8 [0] : vector<4096x13xf32> to vector<13xf32>
    %broadcast_in_dim3A_10 = vector.shape_cast %reduce_sum3A_9 : vector<13xf32> to vector<1x13xf32>
    %div3A_11 = arith.constant 4.096000e+03 : f32
    %div3A_12 = vector.broadcast %div3A_11 : f32 to vector<1x13xf32>
    %div3A_13 = arith.divf %broadcast_in_dim3A_10, %div3A_12 : vector<1x13xf32>
    %sub3A_14 = vector.broadcast %div3A_4 : vector<1x13xf32> to vector<4096x13xf32>
    %sub3A_15 = arith.subf %get3A_1, %sub3A_14 : vector<4096x13xf32>
    %add3A = arith.constant 9.99999974E-6 : f32
    %add3A_16 = vector.broadcast %add3A : f32 to vector<1x13xf32>
    %add3A_17 = arith.addf %div3A_13, %add3A_16 : vector<1x13xf32>
    %rsqrt3A = math.rsqrt %add3A_17 : vector<1x13xf32>
    %mul3A_18 = vector.broadcast %rsqrt3A : vector<1x13xf32> to vector<4096x13xf32>
    %mul3A_19 = arith.mulf %sub3A_15, %mul3A_18 : vector<4096x13xf32>
    %get3A_20 = arith.constant 0 : index
    %get3A_21 = arith.constant 0 : index
    %get3A_22 = vector.load %arg13[%get3A_20, %get3A_21] : memref<1x13xf32, #tpu.memory_space<vmem>>, vector<1x13xf32>
    %mul3A_23 = vector.broadcast %get3A_22 : vector<1x13xf32> to vector<4096x13xf32>
    %mul3A_24 = arith.mulf %mul3A_19, %mul3A_23 : vector<4096x13xf32>
    %get3A_25 = arith.constant 0 : index
    %get3A_26 = arith.constant 0 : index
    %get3A_27 = vector.load %arg14[%get3A_25, %get3A_26] : memref<1x13xf32, #tpu.memory_space<vmem>>, vector<1x13xf32>
    %add3A_28 = vector.broadcast %get3A_27 : vector<1x13xf32> to vector<4096x13xf32>
    %add3A_29 = arith.addf %mul3A_24, %add3A_28 : vector<4096x13xf32>
    %get3A_30 = arith.constant 0 : index
    %get3A_31 = arith.constant 0 : index
    %get3A_32 = vector.load %arg0[%get3A_30, %get3A_31] : memref<416x4096xf32, #tpu.memory_space<vmem>>, vector<416x4096xf32>
    %get3A_33 = arith.constant 0 : index
    %get3A_34 = arith.constant 0 : index
    %get3A_35 = vector.load %arg2[%get3A_33, %get3A_34] : memref<416x64xf32, #tpu.memory_space<vmem>>, vector<416x64xf32>
    %dot_general3A = arith.constant dense<0.000000e+00> : vector<4096x64xf32>
    %dot_general3A_36 = tpu.matmul %get3A_32, %get3A_35, %dot_general3A {dimension_numbers = #tpu.dot_dimension_numbers<[0], [0], [1], [1], [0, 1, 1, 1], [], []>, precision = #tpu.contract_precision<fp32>, transpose_lhs_hint = false} : vector<416x4096xf32>, vector<416x64xf32>, vector<4096x64xf32> -> vector<4096x64xf32>
    %get3A_37 = arith.constant 0 : index
    %get3A_38 = arith.constant 0 : index
    %get3A_39 = vector.load %arg3[%get3A_37, %get3A_38] : memref<13x64xf32, #tpu.memory_space<vmem>>, vector<13x64xf32>
    %dot_general3A_40 = arith.constant dense<0.000000e+00> : vector<4096x64xf32>
    %dot_general3A_41 = tpu.matmul %add3A_29, %get3A_39, %dot_general3A_40 {dimension_numbers = #tpu.dot_dimension_numbers<[1], [0], [0], [1], [0, 0, 1, 1], [], []>, precision = #tpu.contract_precision<fp32>, transpose_lhs_hint = false} : vector<4096x13xf32>, vector<13x64xf32>, vector<4096x64xf32> -> vector<4096x64xf32>
    %add3A_42 = arith.addf %dot_general3A_36, %dot_general3A_41 : vector<4096x64xf32>
    %get3A_43 = arith.constant 0 : index
    %get3A_44 = arith.constant 0 : index
    %get3A_45 = vector.load %arg4[%get3A_43, %get3A_44] : memref<1x64xf32, #tpu.memory_space<vmem>>, vector<1x64xf32>
    %add3A_46 = vector.broadcast %get3A_45 : vector<1x64xf32> to vector<4096x64xf32>
    %add3A_47 = arith.addf %add3A_42, %add3A_46 : vector<4096x64xf32>
    %max3A = arith.constant 0.000000e+00 : f32
    %max3A_48 = vector.broadcast %max3A : f32 to vector<4096x64xf32>
    %max3A_49 = arith.maximumf %add3A_47, %max3A_48 : vector<4096x64xf32>
    %reduce_sum3A_50 = arith.constant dense<0.000000e+00> : vector<64xf32>
    %reduce_sum3A_51 = vector.multi_reduction <add>, %max3A_49, %reduce_sum3A_50 [0] : vector<4096x64xf32> to vector<64xf32>
    %broadcast_in_dim3A_52 = vector.shape_cast %reduce_sum3A_51 : vector<64xf32> to vector<1x64xf32>
    %div3A_53 = arith.constant 4.096000e+03 : f32
    %div3A_54 = vector.broadcast %div3A_53 : f32 to vector<1x64xf32>
    %div3A_55 = arith.divf %broadcast_in_dim3A_52, %div3A_54 : vector<1x64xf32>
    %sub3A_56 = vector.broadcast %div3A_55 : vector<1x64xf32> to vector<4096x64xf32>
    %sub3A_57 = arith.subf %max3A_49, %sub3A_56 : vector<4096x64xf32>
    %sub3A_58 = vector.broadcast %div3A_55 : vector<1x64xf32> to vector<4096x64xf32>
    %sub3A_59 = arith.subf %max3A_49, %sub3A_58 : vector<4096x64xf32>
    %mul3A_60 = arith.mulf %sub3A_57, %sub3A_59 : vector<4096x64xf32>
    %reduce_sum3A_61 = arith.constant dense<0.000000e+00> : vector<64xf32>
    %reduce_sum3A_62 = vector.multi_reduction <add>, %mul3A_60, %reduce_sum3A_61 [0] : vector<4096x64xf32> to vector<64xf32>
    %broadcast_in_dim3A_63 = vector.shape_cast %reduce_sum3A_62 : vector<64xf32> to vector<1x64xf32>
    %div3A_64 = arith.constant 4.096000e+03 : f32
    %div3A_65 = vector.broadcast %div3A_64 : f32 to vector<1x64xf32>
    %div3A_66 = arith.divf %broadcast_in_dim3A_63, %div3A_65 : vector<1x64xf32>
    %sub3A_67 = vector.broadcast %div3A_55 : vector<1x64xf32> to vector<4096x64xf32>
    %sub3A_68 = arith.subf %max3A_49, %sub3A_67 : vector<4096x64xf32>
    %add3A_69 = arith.constant 9.99999974E-6 : f32
    %add3A_70 = vector.broadcast %add3A_69 : f32 to vector<1x64xf32>
    %add3A_71 = arith.addf %div3A_66, %add3A_70 : vector<1x64xf32>
    %rsqrt3A_72 = math.rsqrt %add3A_71 : vector<1x64xf32>
    %mul3A_73 = vector.broadcast %rsqrt3A_72 : vector<1x64xf32> to vector<4096x64xf32>
    %mul3A_74 = arith.mulf %sub3A_68, %mul3A_73 : vector<4096x64xf32>
    %get3A_75 = arith.constant 0 : index
    %get3A_76 = arith.constant 0 : index
    %get3A_77 = vector.load %arg5[%get3A_75, %get3A_76] : memref<1x64xf32, #tpu.memory_space<vmem>>, vector<1x64xf32>
    %mul3A_78 = vector.broadcast %get3A_77 : vector<1x64xf32> to vector<4096x64xf32>
    %mul3A_79 = arith.mulf %mul3A_74, %mul3A_78 : vector<4096x64xf32>
    %get3A_80 = arith.constant 0 : index
    %get3A_81 = arith.constant 0 : index
    %get3A_82 = vector.load %arg6[%get3A_80, %get3A_81] : memref<1x64xf32, #tpu.memory_space<vmem>>, vector<1x64xf32>
    %add3A_83 = vector.broadcast %get3A_82 : vector<1x64xf32> to vector<4096x64xf32>
    %add3A_84 = arith.addf %mul3A_79, %add3A_83 : vector<4096x64xf32>
    %get3A_85 = arith.constant 0 : index
    %get3A_86 = arith.constant 0 : index
    %get3A_87 = vector.load %arg7[%get3A_85, %get3A_86] : memref<64x32xf32, #tpu.memory_space<vmem>>, vector<64x32xf32>
    %dot_general3A_88 = arith.constant dense<0.000000e+00> : vector<4096x32xf32>
    %dot_general3A_89 = tpu.matmul %add3A_84, %get3A_87, %dot_general3A_88 {dimension_numbers = #tpu.dot_dimension_numbers<[1], [0], [0], [1], [0, 0, 1, 1], [], []>, precision = #tpu.contract_precision<fp32>, transpose_lhs_hint = false} : vector<4096x64xf32>, vector<64x32xf32>, vector<4096x32xf32> -> vector<4096x32xf32>
    %get3A_90 = arith.constant 0 : index
    %get3A_91 = arith.constant 0 : index
    %get3A_92 = vector.load %arg8[%get3A_90, %get3A_91] : memref<1x32xf32, #tpu.memory_space<vmem>>, vector<1x32xf32>
    %add3A_93 = vector.broadcast %get3A_92 : vector<1x32xf32> to vector<4096x32xf32>
    %add3A_94 = arith.addf %dot_general3A_89, %add3A_93 : vector<4096x32xf32>
    %max3A_95 = arith.constant 0.000000e+00 : f32
    %max3A_96 = vector.broadcast %max3A_95 : f32 to vector<4096x32xf32>
    %max3A_97 = arith.maximumf %add3A_94, %max3A_96 : vector<4096x32xf32>
    %reduce_sum3A_98 = arith.constant dense<0.000000e+00> : vector<32xf32>
    %reduce_sum3A_99 = vector.multi_reduction <add>, %max3A_97, %reduce_sum3A_98 [0] : vector<4096x32xf32> to vector<32xf32>
    %broadcast_in_dim3A_100 = vector.shape_cast %reduce_sum3A_99 : vector<32xf32> to vector<1x32xf32>
    %div3A_101 = arith.constant 4.096000e+03 : f32
    %div3A_102 = vector.broadcast %div3A_101 : f32 to vector<1x32xf32>
    %div3A_103 = arith.divf %broadcast_in_dim3A_100, %div3A_102 : vector<1x32xf32>
    %sub3A_104 = vector.broadcast %div3A_103 : vector<1x32xf32> to vector<4096x32xf32>
    %sub3A_105 = arith.subf %max3A_97, %sub3A_104 : vector<4096x32xf32>
    %sub3A_106 = vector.broadcast %div3A_103 : vector<1x32xf32> to vector<4096x32xf32>
    %sub3A_107 = arith.subf %max3A_97, %sub3A_106 : vector<4096x32xf32>
    %mul3A_108 = arith.mulf %sub3A_105, %sub3A_107 : vector<4096x32xf32>
    %reduce_sum3A_109 = arith.constant dense<0.000000e+00> : vector<32xf32>
    %reduce_sum3A_110 = vector.multi_reduction <add>, %mul3A_108, %reduce_sum3A_109 [0] : vector<4096x32xf32> to vector<32xf32>
    %broadcast_in_dim3A_111 = vector.shape_cast %reduce_sum3A_110 : vector<32xf32> to vector<1x32xf32>
    %div3A_112 = arith.constant 4.096000e+03 : f32
    %div3A_113 = vector.broadcast %div3A_112 : f32 to vector<1x32xf32>
    %div3A_114 = arith.divf %broadcast_in_dim3A_111, %div3A_113 : vector<1x32xf32>
    %sub3A_115 = vector.broadcast %div3A_103 : vector<1x32xf32> to vector<4096x32xf32>
    %sub3A_116 = arith.subf %max3A_97, %sub3A_115 : vector<4096x32xf32>
    %add3A_117 = arith.constant 9.99999974E-6 : f32
    %add3A_118 = vector.broadcast %add3A_117 : f32 to vector<1x32xf32>
    %add3A_119 = arith.addf %div3A_114, %add3A_118 : vector<1x32xf32>
    %rsqrt3A_120 = math.rsqrt %add3A_119 : vector<1x32xf32>
    %mul3A_121 = vector.broadcast %rsqrt3A_120 : vector<1x32xf32> to vector<4096x32xf32>
    %mul3A_122 = arith.mulf %sub3A_116, %mul3A_121 : vector<4096x32xf32>
    %get3A_123 = arith.constant 0 : index
    %get3A_124 = arith.constant 0 : index
    %get3A_125 = vector.load %arg9[%get3A_123, %get3A_124] : memref<1x32xf32, #tpu.memory_space<vmem>>, vector<1x32xf32>
    %mul3A_126 = vector.broadcast %get3A_125 : vector<1x32xf32> to vector<4096x32xf32>
    %mul3A_127 = arith.mulf %mul3A_122, %mul3A_126 : vector<4096x32xf32>
    %get3A_128 = arith.constant 0 : index
    %get3A_129 = arith.constant 0 : index
    %get3A_130 = vector.load %arg10[%get3A_128, %get3A_129] : memref<1x32xf32, #tpu.memory_space<vmem>>, vector<1x32xf32>
    %add3A_131 = vector.broadcast %get3A_130 : vector<1x32xf32> to vector<4096x32xf32>
    %add3A_132 = arith.addf %mul3A_127, %add3A_131 : vector<4096x32xf32>
    %get3A_133 = arith.constant 0 : index
    %get3A_134 = arith.constant 0 : index
    %get3A_135 = vector.load %arg11[%get3A_133, %get3A_134] : memref<32x1xf32, #tpu.memory_space<vmem>>, vector<32x1xf32>
    %dot_general3A_136 = arith.constant dense<0.000000e+00> : vector<4096x1xf32>
    %dot_general3A_137 = tpu.matmul %add3A_132, %get3A_135, %dot_general3A_136 {dimension_numbers = #tpu.dot_dimension_numbers<[1], [0], [0], [1], [0, 0, 1, 1], [], []>, precision = #tpu.contract_precision<fp32>, transpose_lhs_hint = false} : vector<4096x32xf32>, vector<32x1xf32>, vector<4096x1xf32> -> vector<4096x1xf32>
    %get3A_138 = arith.constant 0 : index
    %get3A_139 = arith.constant 0 : index
    %get3A_140 = vector.load %arg12[%get3A_138, %get3A_139] : memref<1x1xf32, #tpu.memory_space<vmem>>, vector<1x1xf32>
    %add3A_141 = vector.broadcast %get3A_140 : vector<1x1xf32> to vector<4096x1xf32>
    %add3A_142 = arith.addf %dot_general3A_137, %add3A_141 : vector<4096x1xf32>
    %swap3A = arith.constant 0 : index
    %swap3A_143 = arith.constant 0 : index
    %swap3A_144 = vector.load %arg15[%swap3A, %swap3A_143] : memref<4096x1xf32, #tpu.memory_space<vmem>>, vector<4096x1xf32>
    tpu.vector_store %arg15[%swap3A, %swap3A_143], %add3A_142 {strides = array<i32>} : memref<4096x1xf32, #tpu.memory_space<vmem>>, vector<4096x1xf32>,
    return
  }
}

</mosaic_0001>

<sc_bundles>
// kernel: kernel.4.cloned.1.call-start
scs
__scs_entry_jumppad:
0x0: {  	(pc) =	sbr.rel $0x88, $3  }
0x1: {  	(tag) =	ssettag $0x0;
	lr =	simm.s32 $0x1  }
0x2: {  	[smem:$0x3F92] =	sst lr;
	_ =	strace $0xD0000000  }
0x3: {  	_ = 	snop  }
0x4: {  	_ = 	snop  }
0x5: {  	_ = 	snop  }
0x6: {  	_ = 	snop  }
0x7: {  	_ = 	snop  }
__scs_overlays_trampoline_lowered:
0x8: {  	[smem:$0x3FA1] =	sst s0  }
0x9: {  	[smem:$0x3FA2] =	sst s1  }
0xa: {  	[smem:$0x3FA3] =	sst s2  }
0xb: {  	[smem:$0x3FA4] =	sst s3  }
0xc: {  	[smem:$0x3FA5] =	sst s4  }
0xd: {  	[smem:$0x3FA6] =	sst s5  }
0xe: {  	[smem:$0x3FA7] =	sst s6  }
0xf: {  	[smem:$0x3FA8] =	sst s7  }
0x10: {  	[smem:$0x3FA9] =	sst s8  }
0x11: {  	[smem:$0x3FAA] =	sst s9;
	s0 =	simm.s32 @!p0 $0x0  }
0x12: {  	s1 =	sld [smem:$0x3F90];
	s0 =	simm.s32 @p0 $0x1  }
0x13: {  	[smem:$0x3FAB] =	sst s0;
	s0 =	simm.s32 @!p1 $0x0  }
0x14: {  	s2 =	sld [smem:$0x3F8F];
	s0 =	simm.s32 @p1 $0x1  }
0x15: {  	[smem:$0x3FAC] =	sst s0;
	s0 =	simm.s32 @!p2 $0x0  }
0x16: {  	s3 =	sld [smem:$0x3FDB];
	s0 =	simm.s32 @p2 $0x1  }
0x17: {  	s4 =	simm.s32 $0x1BF5;
	[smem:$0x3FAE] =	sst s0  }
0x18: {  	s0 =	sld [smem:$0x3F91];
	_ =	swait.ge [sflag:s4], $0x0  }
0x19: {  	s7 =	sld [smem:$0x3F92]  }
0x1a: {  	s8 =	sadd.s32 $0xFFFFE003, lr  }
0x1b: {  	s9 =	sadd.s32 $0xFFFFFEF7, lr;
	s5 =	simm.s32 $0xFFFFFFFF;
	p2 =	slt.u32 s8, $0xFFFFF086  }
0x1c: {  	p1 =	slt.u32 s9, $0xF7A;
	s5 =	simm.s32 @!p2 $0x0  }
0x1d: {  	s5 =	simm.s32 @p1 $0x1;
	p0 =	seq.s32 s7, s2  }
0x1e: {  	s7 =	smul.u32 @!p0 $0xF7A, s2;
	p2 =	seq.s32 @!p0 s5, $0x0  }
0x1f: {  	s9 =	smul.u32 $0xF7A, s1;
	s8 =	simm.s32 @!p0 $0x1BF5;
	p2 =	por !p2, p0  }
0x20: {  	[sflag:s8] =	ssyncset.s32 @!p0 $0xFFFFF086;
	s6 =	sadd.s32 @!p0 s3, s7;
	s7 =	simm.s32 @!p0 $0x108  }
0x21: {  	s3 =	sadd.s32 s3, s9;
	s6 =	sadd.s32 @!p0 $0x88, s6;
	s7 =	simm.s32 @p2 $0x1082  }
0x22: {  	[simem:s7], [sflag:s8] =	dma.local @!p0 [hbm:s6], $0xF7A  }
0x23: {  	s9 =	sor.u32 $0xD0000000, s2;
	s6 =	simm.s32 $0x108;
	_ =	swait.ge @!p0 [sflag:s8], $0x0  }
0x24: {  	s3 =	sadd.s32 $0x88, s3;
	s6 =	simm.s32 @!p1 $0x1082;
	[sflag:s4] =	ssyncset.s32 $0xFFFFF086  }
0x25: {  	[simem:s6], [sflag:s4] =	dma.local [hbm:s3], $0xF7A  }
0x26: {  	[smem:$0x3F92] =	sst s1;
	(tag) =	ssettag s2;
	_ =	strace s9  }
0x27: {  	s1 =	sld [smem:$0x3FA2]  }
0x28: {  	s2 =	sld [smem:$0x3FA3]  }
0x29: {  	s4 =	sld [smem:$0x3FA5]  }
0x2a: {  	p0 =	seq.s32 s5, $0x0;
	s5 =	sld [smem:$0x3FA6]  }
0x2b: {  	s6 =	sld [smem:$0x3FA7]  }
0x2c: {  	s7 =	sld [smem:$0x3FA8]  }
0x2d: {  	s3 =	simm.s32 $0x108;
	s8 =	sld [smem:$0x3FA9]  }
0x2e: {  	s3 =	simm.s32 @!p0 $0x1082;
	s9 =	sld [smem:$0x3FAA]  }
0x2f: {  	lr =	sadd.s32 s0, s3;
	s0 =	sld [smem:$0x3FA1]  }
0x30: {  	s3 =	sld [smem:$0x3FA4]  }
0x31: {  	[smem:$0x3FAD] =	sst s10  }
0x32: {  	s10 =	sld [smem:$0x3FAB];
	_ =	sdelay $0x3  }
0x33: {  	p0 =	seq.s32 s10, $0x1;
	s10 =	sld [smem:$0x3FAD];
	_ =	sdelay $0x3  }
0x34: {  	[smem:$0x3FAD] =	sst s10  }
0x35: {  	s10 =	sld [smem:$0x3FAC];
	_ =	sdelay $0x3  }
0x36: {  	p1 =	seq.s32 s10, $0x1;
	s10 =	sld [smem:$0x3FAD];
	_ =	sdelay $0x3  }
0x37: {  	[smem:$0x3FAD] =	sst s10  }
0x38: {  	s10 =	sld [smem:$0x3FAE]  }
0x39: {  	_ = 	snop;
	(pc) =	sbr.ind lr, $3  }
0x3a: {  	_ = 	snop  }
0x3b: {  	_ = 	snop  }
0x3c: {  	p2 =	seq.s32 s10, $0x1;
	s10 =	sld [smem:$0x3FAD]  }
0x3d: {  	_ =	shalt  }
0x3e: {  	_ =	shalt  }
0x3f: {  	_ =	shalt  }
0x40: {  	_ =	shalt  }
0x41: {  	_ =	shalt  }
0x42: {  	_ =	shalt  }
0x43: {  	_ =	shalt  }
0x44: {  	_ =	shalt  }
0x45: {  	_ =	shalt  }
0x46: {  	_ =	shalt  }
0x47: {  	_ =	shalt  }
0x48: {  	_ =	shalt  }
0x49: {  	_ =	shalt  }
0x4a: {  	_ =	shalt  }
0x4b: {  	_ =	shalt  }
0x4c: {  	_ =	shalt  }
0x4d: {  	_ =	shalt  }
0x4e: {  	_ =	shalt  }
0x4f: {  	_ =	shalt  }
0x50: {  	_ =	shalt  }
0x51: {  	_ =	shalt  }
0x52: {  	_ =	shalt  }
0x53: {  	_ =	shalt  }
0x54: {  	_ =	shalt  }
0x55: {  	_ =	shalt  }
0x56: {  	_ =	shalt  }
0x57: {  	_ =	shalt  }
0x58: {  	_ =	shalt  }
0x59: {  	_ =	shalt  }
0x5a: {  	_ =	shalt  }
0x5b: {  	_ =	shalt  }
0x5c: {  	_ =	shalt  }
0x5d: {  	_ =	shalt  }
0x5e: {  	_ =	shalt  }
0x5f: {  	_ =	shalt  }
0x60: {  	_ =	shalt  }
0x61: {  	_ =	shalt  }
0x62: {  	_ =	shalt  }
0x63: {  	_ =	shalt  }
0x64: {  	_ =	shalt  }
0x65: {  	_ =	shalt  }
0x66: {  	_ =	shalt  }
0x67: {  	_ =	shalt  }
0x68: {  	_ =	shalt  }
0x69: {  	_ =	shalt  }
0x6a: {  	_ =	shalt  }
0x6b: {  	_ =	shalt  }
0x6c: {  	_ =	shalt  }
0x6d: {  	_ =	shalt  }
0x6e: {  	_ =	shalt  }
0x6f: {  	_ =	shalt  }
0x70: {  	_ =	shalt  }
0x71: {  	_ =	shalt  }
0x72: {  	_ =	shalt  }
0x73: {  	_ =	shalt  }
0x74: {  	_ =	shalt  }
0x75: {  	_ =	shalt  }
0x76: {  	_ =	shalt  }
0x77: {  	_ =	shalt  }
0x78: {  	_ =	shalt  }
0x79: {  	_ =	shalt  }
0x7a: {  	_ =	shalt  }
0x7b: {  	_ =	shalt  }
0x7c: {  	_ =	shalt  }
0x7d: {  	_ =	shalt  }
0x7e: {  	_ =	shalt  }
0x7f: {  	_ =	shalt  }
0x80: {  	_ =	shalt  }
0x81: {  	_ =	shalt  }
0x82: {  	_ =	shalt  }
0x83: {  	_ =	shalt  }
0x84: {  	_ =	shalt  }
0x85: {  	_ =	shalt  }
0x86: {  	_ =	shalt  }
0x87: {  	_ =	shalt  }
.Lfunc_end0:
.L_simem_size_0:
called_computation_lowered:
.L_overlay_start_0:
0x88: {  	s2 =	sld [smem:$0x3FD9]  }
0x89: {  	s3 =	sld [smem:$0x3FFE];
	_ =	sdelay $0x1  }
0x8a: {  	s1 =	srdreg.scid  }
0x8b: {  	s0 =	sand.u32 $0x1, s1  }
0x8c: {  	s16 =	sshll.u32 s0, $0xA;
	s2 =	sadd.s32 s3, s2  }
0x8d: {  	s2 =	sadd.s32 s2, s16  }
0x8e: {  	[smem:$0x3FB9] =	sst s2  }
0x8f: {  	_ = 	snop  }
0x90: {  	(tm) =	ssettm $0x1  }
0x91: {  	s17 =	sld [smem:$0x3FFB];
	_ =	sdelay $0x3  }
0x92: {  	_ =	strace s17  }
0x93: {  	s2 =	sld [smem:$0x3FFC];
	_ =	sdelay $0x3  }
0x94: {  	_ =	strace s2  }
0x95: {  	s2 =	sld [smem:$0x3FFD];
	_ =	sdelay $0x3  }
0x96: {  	_ =	strace s2  }
0x97: {  	_ =	strace $0x8FFFFFFF  }
0x98: {  	s18 =	sld [smem:$0x3FDB];
	_ =	sdelay $0x1  }
0x99: {  	s19 =	simm.s32 $_scs_section_size  }
0x9a: {  	s4 =	simm.s32 $_size__tile_overlayer_lowered;
	s5 =	simm.s32 $_tile_overlayer_lowered  }
0x9b: {  	s22 =	simm.s32 $0x1BFF;
	s21 =	sshll.u32 s5, $0x1;
	s2 =	sadd.s32 s19, s18  }
0x9c: {  	s6 =	simm.s32 $0x0;
	s20 =	sshll.u32 s4, $0x1;
	s4 =	sadd.s32 s21, s2  }
0x9d: {  	[timem:s6], [sflag:s22] =	dma.local [hbm:s4], s20  }
0x9e: {  	_ =	swait.ge [sflag:s22], s20  }
0x9f: {  	s3 =	ssub.s32 $0x0, s20;
	[sflag:s22] =	ssyncset.done $0x0  }
0xa0: {  	[sflag:s22] =	ssyncadd.s32 s3;
	_ =	sdelay $0x1  }
0xa1: {  	s23 =	simm.s32 $0x1B8B  }
0xa2: {  	_ =	swait.ge [sflag:s23], $0x1  }
0xa3: {  	[sflag:s23] =	ssyncset.done $0x0  }
0xa4: {  	s25 =	simm.s32 $0x1B8E;
	s24 =	sld [smem:$0x3FFE];
	[sflag:s23] =	ssyncadd.s32 $0xFFFFFFFF  }
0xa5: {  	s26 =	simm.s32 $execute0_lowered;
	[smem:$0x3FD2] =	sst s25  }
0xa6: {  	s4 =	sshll.u32 s26, $0x1;
	_ =	strace $0x80000046;
	[dreg:$0x1] =	wrdreg $0xFFFFFFFF  }
0xa7: {  	s28 =	simm.s32 $_size_execute0_lowered;
	s2 =	sadd.s32 s2, s4;
	[dreg:$0x0] =	wrdreg $0x0  }
0xa8: {  	s4 =	sshll.u32 s28, $0x1;
	[dreg:$0x2] =	wrdreg s2  }
0xa9: {  	[dreg:$0x3] =	wrdreg s4  }
0xaa: {  	[dreg:$0x4] =	wrdreg $0xC0  }
0xab: {  	_ =	task [dreg:s6], $0x5FFFF  }
0xac: {  	[dreg:$0x1] =	wrdreg $0xFFFFFFFF  }
0xad: {  	[dreg:$0x0] =	wrdreg $0x60  }
0xae: {  	[dreg:$0x2] =	wrdreg s24  }
0xaf: {  	[dreg:$0x3] =	wrdreg $0x9  }
0xb0: {  	_ =	task.clear_ibuf [dreg:s6], $0x4FFFF;
	_ =	strace $0x90000046  }
0xb1: {  	s29 =	simm.s32 $0x9;
	_ =	strace $0x80000048  }
0xb2: {  	_ =	swait.ge [sflag:s29], $0x1  }
0xb3: {  	[sflag:s29] =	ssyncadd.s32 $0xFFFFFFFF  }
0xb4: {  	_ =	strace $0x90000048  }
0xb5: {  	_ =	sfence  }
0xb6: {  	s30 =	sld [smem:$0x0];
	_ =	sdelay $0x2  }
0xb7: {  	s31 =	sshll.u32 s1, $0xD;
	s1 =	sshrl.u32 s1, $0x2  }
0xb8: {  	s3 =	sand.u32 $0x4000, s31;
	s1 =	sadd.s32 s1, s30  }
0xb9: {  	s0 =	sor.u32 s3, s0;
	s1 =	sshll.u32 s1, $0x11  }
0xba: {  	s0 =	sor.u32 s1, s0  }
0xbb: {  	s0 =	sadd.s32 $0x8F2B, s0  }
0xbc: {  	[sflag:s0] =	ssyncadd.remote.s32 $0x1  }
0xbd: {  	_ =	sfence.sel $0xFFFF  }
0xbe: {  	[dreg:$0x0] =	wrdreg $0xFFFFFFFF;
	(pc) =	sbr.abs _section_cstart, $3  }
0xbf: {  	[dreg:$0x1] =	wrdreg $0xFFFFFFFF  }
0xc0: {  	_ =	task.clear_ibuf [dreg:s6], $0x2FFFF;
	_ =	strace $0x9FFFFFFF  }
0xc1: {  	(tm) =	ssettm $0x7FFFFFFF  }
tec
execute0_lowered:
.L_overlay_start_1:
0x0: {  	(tag) =	ssettag $0x1  }
0x1: {  	s5 =	rddreg [dreg:$0x0]  }
0x2: {  	s0 =	rddreg [dreg:$0x1];
	s1 =	simm.s32 $0x0;
	s2 =	srdreg.scid  }
0x3: {  	s10 =	simm.s32 $0x196A0;
	s11 =	simm.s32 $0x0;
	[smem:$0x7FF] =	sst s1  }
0x4: {  	s6 =	sand.u32 $0x1, s2;
	s3 =	sadd.s32 $0x1E00, s5;
	s2 =	stileid.u32  }
0x5: {  	s4 =	sadd.s32 $0x4F7800, s5;
	s5 =	sadd.s32 $0x4FAC00, s5;
	s7 =	ssub.s32 $0x2, s6  }
0x6: {  	_ =	strace $0x80000047;
	s9 =	sshll.u32 s2, $0x1;
	s8 =	sshrl.u32 s7, $0x1  }
0x7: {  	s6 =	sor.u32 s6, s9;
	s9 =	simm.s32 $0x186A0;
	s7 =	ssub.s32 s7, s8  }
0x8: {  	s6 =	smul.u32 $0xD, s6;
	s8 =	simm.s32 $0x1;
	s7 =	smax.u32 s7, $0x1  }
.LBB2_1:
0x9: {  	s12 =	simm.s32 $0x0  }
.LBB2_2:
0xa: {  	s13 =	sadd.s32 s6, s12  }
0xb: {  	s14 =	smul.u32 $0x30D4, s13;
	_ =	sdelay $0x1  }
0xc: {  	s15 =	simm.s32 $0x0;
	s14 =	sadd.s32 s3, s14  }
0xd: {  	[tilespmem:s15], [sflag:$0x1] =	stream.linear.gather [hbm4b:s14+s15], $0x186A0, $0x38;
	[tilespmem:$0x1A6A0] =	vst v63  }
0xe: {  	s31 =	sshll.u32 s13, $0x5;
	_ =	swait.ge [sflag:s8], $0x186A0  }
0xf: {  	s14 =	sand.u32 $0x1FFFFE00, s31;
	[sflag:s8] =	ssyncset.done $0x0  }
0x10: {  	s14 =	sadd.s32 s4, s14;
	[sflag:s8] =	ssyncadd.s32 $0xFFFE7960  }
0x11: {  	[tilespmem:s9], [sflag:$0x1] =	stream.linear.gather [hbm4b:s14+s15], $0x1000, $0x38;
	[tilespmem:$0x1A6A0] =	vst v63  }
0x12: {  	_ =	swait.ge [sflag:s8], $0x1000  }
0x13: {  	[sflag:s8] =	ssyncset.done $0x0  }
0x14: {  	s14 =	simm.s32 $0x0;
	[sflag:s8] =	ssyncadd.s32 $0xFFFFF000  }
0x15: {  	v0 =	vld [tilespmem:s14+$0x186A0];
	_ =	sdelay $0x7  }
0x16: {  	s16 =	simm.s32 $0x80;
	s15 =	simm.s32 $0x10;
	v0 =	vld.idx.msk [tilespmem:v0+s1+$0x0], $0xffff  }
.LBB2_3:
0x17: {  	p0 =	sne.s32 s16, $0x3FC0;
	v1 =	vld [tilespmem:s15+$0x186A0];
	_ =	sdelay $0x3  }
.Ltmp0:
0x18: {  	(pc) =	sbr.rel @p0 .LBB2_3-.Ltmp0, $2  }
0x19: {  	[tilespmem:s14+$0x196A0] =	vst v0;
	s14 =	smov.u32 s15;
	_ =	sdelay $0x2  }
0x1a: {  	s15 =	sshra.s32 s16, $0x2;
	s16 =	sadd.s32 $0x40, s16;
	v0 =	vld.idx.msk [tilespmem:v1+s1+$0x0], $0xffff  }
0x1b: {  	v1 =	vld [tilespmem:s15+$0x186A0];
	_ =	sdelay $0x6  }
0x1c: {  	[tilespmem:s14+$0x196A0] =	vst v0  }
0x1d: {  	v0 =	vld.idx.msk [tilespmem:v1+s1+$0x0], $0xffff;
	_ =	sdelay $0x2  }
0x1e: {  	s12 =	sadd.s32 $0x1, s12  }
0x1f: {  	s13 =	sshll.u32 s13, $0x9;
	p0 =	sne.s32 s12, $0xD  }
.Ltmp1:
0x20: {  	s13 =	sadd.s32 s5, s13;
	[tilespmem:s15+$0x196A0] =	vst v0;
	(pc) =	sbr.rel @p0 .LBB2_2-.Ltmp1, $4  }
0x21: {  	[hbm4b:s13+s1] =	stream.linear.scatter [tilespmem:s10], [sflag:$0x1], $0x1000, $0x38;
	[tilespmem:$0x1A6A0] =	vst v63  }
0x22: {  	_ =	swait.ge [sflag:s8], $0x1000  }
0x23: {  	[sflag:s8] =	ssyncset.done $0x0  }
0x24: {  	[sflag:s8] =	ssyncadd.s32 $0xFFFFF000  }
0x25: {  	s11 =	sadd.s32 $0x1, s11  }
0x26: {  	p0 =	sne.s32 s11, s7  }
.Ltmp2:
0x27: {  	_ = 	snop;
	(pc) =	sbr.rel @p0 .LBB2_1-.Ltmp2, $1  }
0x28: {  	_ =	sdelay $0x3  }
0x29: {  	_ =	sfence.sel $0x180000  }
0x2a: {  	[bflag:$0x0] =	sbarrier.arrive $0xFFFF  }
0x2b: {  	p0 =	sne.s32 s2, $0x0;
	_ =	strace $0x90000047  }
0x2c: {  	s0 =	sadd.s32 @!p0 $0x100000, s0;
	[bflag:$0x2] =	sbarrier.arrive $0xFFFF  }
0x2d: {  	[sflag:s0] =	ssyncadd.tile.s32 @!p0 $0x1;
	_ =	shalt  }
.Lfunc_end2:
_tile_overlayer_lowered:
.L_overlay_start_2:
0x2e: {  	(tag) =	ssettag $0x2  }
0x2f: {  	s0 =	rddreg [dreg:$0x0];
	s2 =	stileid.u32  }
0x30: {  	s1 =	rddreg [dreg:$0x1];
	p0 =	sne.s32 s2, $0x0  }
0x31: {  	s3 =	rddreg [dreg:$0x2];
	[bflag:$0x3] =	sbarrier.arrive $0xFFFF;
	s2 =	simm.s32 @!p0 $0x1C01  }
0x32: {  	[timem:s3], [sflag:s2] =	dma.local @!p0 [hbm:s0], s1  }
0x33: {  	s0 =	simm.s32 @!p0 $0x1  }
0x34: {  	_ =	swait.ge @!p0 [sflag:s0], s1  }
0x35: {  	s1 =	ssub.s32 @!p0 $0x0, s1;
	[sflag:s0] =	ssyncset.done @!p0 $0x0  }
0x36: {  	[sflag:s0] =	ssyncadd.s32 @!p0 s1  }
0x37: {  	[bflag:$0x3] =	sbarrier.arrive $0xFFFF  }
0x38: {  	_ =	shalt  }

</sc_bundles>
